<compile_context>
chip_gen: v7x
topology: tpu7x:2x2x1
jax: 0.10.2.dev20260603
libtpu: 0.0.44.dev20260713+nightly
codegen_flags: <defaults>
</compile_context>

<pallas_src>
import jax
import jax.numpy as jnp
from jax import lax
from jax.experimental import pallas as pl
from jax.experimental.pallas import tpu as pltpu
from jax.experimental.pallas import tpu_sc as plsc
from jax._src.pallas import mpmd as _mpmd

B, P, F, N = 1024, 100, 128, 512
NC, NS = 2, 16
NW = NC * NS
ROWS = B * P
RPW = ROWS // NW
CH = 128
NCHUNK = RPW // CH


def _copy_body(k0, k1, k2, k3, k4, out_ref):
    out_ref[:, :, 0 * F:1 * F] = k0[...]
    out_ref[:, :, 1 * F:2 * F] = k1[...]
    out_ref[:, :, 2 * F:3 * F] = k2[...]
    out_ref[:, :, 3 * F:4 * F] = k3[...]
    out_ref[:, :, 4 * F:5 * F] = k4[...]


def _sc_body(tab_ref, idx_ref, out_in_ref, out_ref, idx_v, rows_v, sem):
    del out_in_ref
    wid = lax.axis_index("s") * NC + lax.axis_index("c")
    base = wid * RPW

    def chunk(j, carry):
        r0 = base + j * CH
        pltpu.sync_copy(idx_ref.at[pl.ds(r0, CH)], idx_v)
        pltpu.async_copy(tab_ref.at[idx_v], rows_v, sem).wait()
        pltpu.sync_copy(rows_v, out_ref.at[pl.ds(r0, CH), pl.ds(5, 1), :])
        return carry

    lax.fori_loop(0, NCHUNK, chunk, 0)


def kernel(known_one_hot, unknown_one_hot, known_differ_one_hot,
           workers_qa_turn_one_hot, workers_max_qa_turn_one_hot,
           personal_nodes, final_node_embed):
    G = 8
    feat_spec = pl.BlockSpec((G, P, F), lambda b: (b, 0, 0))
    out1 = pl.pallas_call(
        _copy_body,
        grid=(B // G,),
        in_specs=[feat_spec] * 5,
        out_specs=pl.BlockSpec((G, P, 6 * F), lambda b: (b, 0, 0)),
        out_shape=jax.ShapeDtypeStruct((B, P, 6 * F), jnp.float32),
    )(known_one_hot, unknown_one_hot, known_differ_one_hot,
      workers_qa_turn_one_hot, workers_max_qa_turn_one_hot)

    gidx = (personal_nodes.astype(jnp.int32)
            + jnp.arange(B, dtype=jnp.int32)[:, None] * N).reshape(ROWS)
    tab3 = final_node_embed.reshape(B * N, 1, F)
    out1r = out1.reshape(ROWS, 6, F)

    mesh = plsc.VectorSubcoreMesh(core_axis_name="c", subcore_axis_name="s")
    sc_call = _mpmd._mpmd_map(
        [(mesh, _sc_body)],
        jax.ShapeDtypeStruct((ROWS, 6, F), jnp.float32),
        input_output_aliases={2: 0},
        scratch_types=[
            pltpu.VMEM((CH,), jnp.int32),
            pltpu.VMEM((CH, 1, F), jnp.float32),
            pltpu.SemaphoreType.DMA,
        ],
    )
    out2 = sc_call(tab3, gidx, out1r)
    return out2.reshape(B, P, 6 * F)

# --- scband reference (transcript-rebuilt; emitter-appended) ---
"""Pipeline reference for scband-workers-state-tracker-29661044146286 (READ-ONLY COPY).

The authoritative reference and input builder live on the scoring server;
editing this copy changes nothing except your own understanding.
"""

import jax, jax.numpy as jnp
import numpy as np

B, P, F, N = 1024, 100, 128, 512

def setup_inputs(seed: int = 0) -> dict:
    key = jax.random.key(seed)
    ks = jax.random.split(key, 7)
    inp = {}
    names = ["known_one_hot", "unknown_one_hot", "known_differ_one_hot",
             "workers_qa_turn_one_hot", "workers_max_qa_turn_one_hot"]
    for i, n in enumerate(names):
        inp[n] = jax.random.normal(ks[i], (B, P, F), dtype=jnp.float32)
    inp["personal_nodes"] = jax.random.randint(ks[5], (B, P), 0, N)
    inp["final_node_embed"] = jax.random.normal(ks[6], (B, N, F), dtype=jnp.float32)
    return inp

def batch_embedding_lookup(embeddings, indices):
    # embeddings: (B, N, F), indices: (B, P) -> (B, P, F)
    return jnp.take_along_axis(embeddings, indices[:, :, None], axis=1)

def reference(known_one_hot, unknown_one_hot, known_differ_one_hot,
              workers_qa_turn_one_hot, workers_max_qa_turn_one_hot,
              personal_nodes, final_node_embed):
    personal_node_embed = batch_embedding_lookup(final_node_embed, personal_nodes)
    workers_state = jnp.concatenate(
        (known_one_hot, unknown_one_hot, known_differ_one_hot,
         workers_qa_turn_one_hot, workers_max_qa_turn_one_hot,
         personal_node_embed), axis=2)
    return workers_state

if __name__ == "__main__":
    import jax
    _d = setup_inputs()
    print(jax.jit(kernel)(*tuple(_d.values())))

</pallas_src>

<mosaic_0001>
#map = affine_map<(d0, d1) -> (0, 0, 0)>
#map1 = affine_map<(d0, d1) -> (0)>
module attributes {stable_mosaic.version = 14 : i64} {
  func.func @_sc_body(%arg0: i32, %arg1: i32, %arg2: memref<524288x1x128xf32, #tpu.memory_space<hbm>>, %arg3: memref<102400xi32, #tpu.memory_space<hbm>>, %arg4: memref<102400x6x128xf32, #tpu.memory_space<hbm>>, %arg5: memref<102400x6x128xf32, #tpu.memory_space<hbm>>, %arg6: memref<128xi32, #tpu.memory_space<vmem>>, %arg7: memref<128x1x128xf32, #tpu.memory_space<vmem>>, %arg8: memref<!tpu.dma_semaphore, #tpu.memory_space<semaphore_mem>>) attributes {dimension_semantics = [#tpu.dimension_semantics<core_parallel>, #tpu.dimension_semantics<subcore_parallel>], iteration_bounds = array<i64: 2, 16>, scalar_prefetch = 0 : i64, scratch_operands = 3 : i64, tpu.core_type = #tpu.core_type<sc_vector_subcore>, window_params = [{transform_indices = #map}, {transform_indices = #map1}, {transform_indices = #map}, {transform_indices = #map}]} {
    %mul3A = arith.constant 2 : i32
    %mul3A_0 = arith.muli %arg1, %mul3A : i32
    %add3A = arith.addi %mul3A_0, %arg0 : i32
    %mul3A_1 = arith.constant 3200 : i32
    %mul3A_2 = arith.muli %add3A, %mul3A_1 : i32
    %scan3A = arith.constant 0 : i32
    %scan3A_3 = arith.constant 0 : i32
    %scan3A_4 = arith.constant 25 : i32
    %scan3A_5 = arith.addi %scan3A_3, %scan3A_4 : i32
    %scan3A_6 = arith.constant 1 : i32
    scf.for %scan3A_8 = %scan3A_3 to %scan3A_5 step %scan3A_6  : i32 {
      %mul3A_9 = arith.constant 128 : i32
      %mul3A_10 = arith.muli %scan3A_8, %mul3A_9 : i32
      %add3A_11 = arith.addi %mul3A_2, %mul3A_10 : i32
      "tpu.region"() ({
        %run_scoped3A = tpu.sem_alloc : memref<!tpu.dma_semaphore, #tpu.memory_space<semaphore_mem>>
        %dma_start3A_18 = tpu.memref_slice %arg3[%add3A_11] : memref<102400xi32, #tpu.memory_space<hbm>> -> memref<128xi32, #tpu.memory_space<hbm>>
        %dma_start3A_19 = tpu.memref_slice %arg3[%add3A_11] : memref<102400xi32, #tpu.memory_space<hbm>> -> memref<128xi32, #tpu.memory_space<hbm>>
        tpu.enqueue_dma source(%dma_start3A_19 : memref<128xi32, #tpu.memory_space<hbm>>) target(%arg6 : memref<128xi32, #tpu.memory_space<vmem>>) target_semaphore(%run_scoped3A : memref<!tpu.dma_semaphore, #tpu.memory_space<semaphore_mem>>)
        %dma_wait3A_20 = tpu.memref_slice %arg3[%add3A_11] : memref<102400xi32, #tpu.memory_space<hbm>> -> memref<128xi32, #tpu.memory_space<hbm>>
        %dma_wait3A_21 = tpu.memref_slice %arg3[%add3A_11] : memref<102400xi32, #tpu.memory_space<hbm>> -> memref<128xi32, #tpu.memory_space<hbm>>
        tpu.wait_dma2 semaphore(%run_scoped3A : memref<!tpu.dma_semaphore, #tpu.memory_space<semaphore_mem>>) src(%dma_wait3A_21 : memref<128xi32, #tpu.memory_space<hbm>>) dst(%arg6 : memref<128xi32, #tpu.memory_space<vmem>>)
        tpu.yield
      }) : () -> ()
      %dma_start3A = arith.constant 0 : i32
      %dma_start3A_12 = arith.constant 0 : i32
      %dma_start3A_13 = arith.constant 0 : i32
      %dma_start3A_14 = tpu.memref_slice %arg2[%dma_start3A, %dma_start3A_12, %dma_start3A_13] : memref<524288x1x128xf32, #tpu.memory_space<hbm>> -> memref<524288x1x128xf32, #tpu.memory_space<hbm>>
      tpu.enqueue_indirect_dma source(%dma_start3A_14 : memref<524288x1x128xf32, #tpu.memory_space<hbm>>) target(%arg7 : memref<128x1x128xf32, #tpu.memory_space<vmem>>) offsets(%arg6 : memref<128xi32, #tpu.memory_space<vmem>>) semaphore(%arg8 : memref<!tpu.dma_semaphore, #tpu.memory_space<semaphore_mem>>)
      %dma_wait3A = arith.constant 0 : i32
      %dma_wait3A_15 = arith.constant 0 : i32
      %dma_wait3A_16 = arith.constant 0 : i32
      %dma_wait3A_17 = tpu.memref_slice %arg2[%dma_wait3A, %dma_wait3A_15, %dma_wait3A_16] : memref<524288x1x128xf32, #tpu.memory_space<hbm>> -> memref<524288x1x128xf32, #tpu.memory_space<hbm>>
      tpu.wait_indirect_dma semaphore(%arg8 : memref<!tpu.dma_semaphore, #tpu.memory_space<semaphore_mem>>) src(%dma_wait3A_17 : memref<524288x1x128xf32, #tpu.memory_space<hbm>>) dst(%arg7 : memref<128x1x128xf32, #tpu.memory_space<vmem>>)
      "tpu.region"() ({
        %run_scoped3A = tpu.sem_alloc : memref<!tpu.dma_semaphore, #tpu.memory_space<semaphore_mem>>
        %dma_start3A_18 = arith.constant 5 : i32
        %dma_start3A_19 = arith.constant 0 : i32
        %dma_start3A_20 = tpu.memref_slice %arg5[%add3A_11, %dma_start3A_18, %dma_start3A_19] : memref<102400x6x128xf32, #tpu.memory_space<hbm>> -> memref<128x1x128xf32, #tpu.memory_space<hbm>>
        %dma_start3A_21 = arith.constant 5 : i32
        %dma_start3A_22 = arith.constant 0 : i32
        %dma_start3A_23 = tpu.memref_slice %arg5[%add3A_11, %dma_start3A_21, %dma_start3A_22] : memref<102400x6x128xf32, #tpu.memory_space<hbm>> -> memref<128x1x128xf32, #tpu.memory_space<hbm>>
        tpu.enqueue_dma source(%arg7 : memref<128x1x128xf32, #tpu.memory_space<vmem>>) target(%dma_start3A_23 : memref<128x1x128xf32, #tpu.memory_space<hbm>>) target_semaphore(%run_scoped3A : memref<!tpu.dma_semaphore, #tpu.memory_space<semaphore_mem>>)
        %dma_wait3A_24 = arith.constant 5 : i32
        %dma_wait3A_25 = arith.constant 0 : i32
        %dma_wait3A_26 = tpu.memref_slice %arg5[%add3A_11, %dma_wait3A_24, %dma_wait3A_25] : memref<102400x6x128xf32, #tpu.memory_space<hbm>> -> memref<128x1x128xf32, #tpu.memory_space<hbm>>
        %dma_wait3A_27 = arith.constant 5 : i32
        %dma_wait3A_28 = arith.constant 0 : i32
        %dma_wait3A_29 = tpu.memref_slice %arg5[%add3A_11, %dma_wait3A_27, %dma_wait3A_28] : memref<102400x6x128xf32, #tpu.memory_space<hbm>> -> memref<128x1x128xf32, #tpu.memory_space<hbm>>
        tpu.wait_dma2 semaphore(%run_scoped3A : memref<!tpu.dma_semaphore, #tpu.memory_space<semaphore_mem>>) src(%arg7 : memref<128x1x128xf32, #tpu.memory_space<vmem>>) dst(%dma_wait3A_29 : memref<128x1x128xf32, #tpu.memory_space<hbm>>)
        tpu.yield
      }) : () -> ()
    }
    %scan3A_7 = arith.constant 25 : i32
    return
  }
}

module attributes {stable_mosaic.version = 14 : i64} {
  func.func @_copy_body(%arg0: i32, %arg1: memref<8x100x128xf32, #tpu.memory_space<vmem>>, %arg2: memref<8x100x128xf32, #tpu.memory_space<vmem>>, %arg3: memref<8x100x128xf32, #tpu.memory_space<vmem>>, %arg4: memref<8x100x128xf32, #tpu.memory_space<vmem>>, %arg5: memref<8x100x128xf32, #tpu.memory_space<vmem>>, %arg6: memref<8x100x768xf32, #tpu.memory_space<vmem>>) attributes {dimension_semantics = [#tpu.dimension_semantics<arbitrary>], iteration_bounds = array<i64: 128>, scalar_prefetch = 0 : i64, scratch_operands = 0 : i64, tpu.core_type = #tpu.core_type<tc>, window_params = [{transform_indices = @transform_0, window_bounds = array<i64: 8, 100, 128>}, {transform_indices = @transform_1, window_bounds = array<i64: 8, 100, 128>}, {transform_indices = @transform_2, window_bounds = array<i64: 8, 100, 128>}, {transform_indices = @transform_3, window_bounds = array<i64: 8, 100, 128>}, {transform_indices = @transform_4, window_bounds = array<i64: 8, 100, 128>}, {transform_indices = @transform_5, window_bounds = array<i64: 8, 100, 768>}]} {
    %get3A = arith.constant 0 : index
    %get3A_0 = arith.constant 0 : index
    %get3A_1 = arith.constant 0 : index
    %get3A_2 = vector.load %arg1[%get3A, %get3A_0, %get3A_1] : memref<8x100x128xf32, #tpu.memory_space<vmem>>, vector<8x100x128xf32>
    %swap3A = arith.constant 0 : index
    %swap3A_3 = arith.constant 0 : index
    %swap3A_4 = arith.constant 0 : index
    %swap3A_5 = vector.load %arg6[%swap3A, %swap3A_3, %swap3A_4] : memref<8x100x768xf32, #tpu.memory_space<vmem>>, vector<8x100x128xf32>
    tpu.vector_store %arg6[%swap3A, %swap3A_3, %swap3A_4], %get3A_2 {strides = array<i32>} : memref<8x100x768xf32, #tpu.memory_space<vmem>>, vector<8x100x128xf32>,
    %get3A_6 = arith.constant 0 : index
    %get3A_7 = arith.constant 0 : index
    %get3A_8 = arith.constant 0 : index
    %get3A_9 = vector.load %arg2[%get3A_6, %get3A_7, %get3A_8] : memref<8x100x128xf32, #tpu.memory_space<vmem>>, vector<8x100x128xf32>
    %swap3A_10 = arith.constant 0 : index
    %swap3A_11 = arith.constant 0 : index
    %swap3A_12 = arith.constant 128 : index
    %swap3A_13 = vector.load %arg6[%swap3A_10, %swap3A_11, %swap3A_12] : memref<8x100x768xf32, #tpu.memory_space<vmem>>, vector<8x100x128xf32>
    tpu.vector_store %arg6[%swap3A_10, %swap3A_11, %swap3A_12], %get3A_9 {strides = array<i32>} : memref<8x100x768xf32, #tpu.memory_space<vmem>>, vector<8x100x128xf32>,
    %get3A_14 = arith.constant 0 : index
    %get3A_15 = arith.constant 0 : index
    %get3A_16 = arith.constant 0 : index
    %get3A_17 = vector.load %arg3[%get3A_14, %get3A_15, %get3A_16] : memref<8x100x128xf32, #tpu.memory_space<vmem>>, vector<8x100x128xf32>
    %swap3A_18 = arith.constant 0 : index
    %swap3A_19 = arith.constant 0 : index
    %swap3A_20 = arith.constant 256 : index
    %swap3A_21 = vector.load %arg6[%swap3A_18, %swap3A_19, %swap3A_20] : memref<8x100x768xf32, #tpu.memory_space<vmem>>, vector<8x100x128xf32>
    tpu.vector_store %arg6[%swap3A_18, %swap3A_19, %swap3A_20], %get3A_17 {strides = array<i32>} : memref<8x100x768xf32, #tpu.memory_space<vmem>>, vector<8x100x128xf32>,
    %get3A_22 = arith.constant 0 : index
    %get3A_23 = arith.constant 0 : index
    %get3A_24 = arith.constant 0 : index
    %get3A_25 = vector.load %arg4[%get3A_22, %get3A_23, %get3A_24] : memref<8x100x128xf32, #tpu.memory_space<vmem>>, vector<8x100x128xf32>
    %swap3A_26 = arith.constant 0 : index
    %swap3A_27 = arith.constant 0 : index
    %swap3A_28 = arith.constant 384 : index
    %swap3A_29 = vector.load %arg6[%swap3A_26, %swap3A_27, %swap3A_28] : memref<8x100x768xf32, #tpu.memory_space<vmem>>, vector<8x100x128xf32>
    tpu.vector_store %arg6[%swap3A_26, %swap3A_27, %swap3A_28], %get3A_25 {strides = array<i32>} : memref<8x100x768xf32, #tpu.memory_space<vmem>>, vector<8x100x128xf32>,
    %get3A_30 = arith.constant 0 : index
    %get3A_31 = arith.constant 0 : index
    %get3A_32 = arith.constant 0 : index
    %get3A_33 = vector.load %arg5[%get3A_30, %get3A_31, %get3A_32] : memref<8x100x128xf32, #tpu.memory_space<vmem>>, vector<8x100x128xf32>
    %swap3A_34 = arith.constant 0 : index
    %swap3A_35 = arith.constant 0 : index
    %swap3A_36 = arith.constant 512 : index
    %swap3A_37 = vector.load %arg6[%swap3A_34, %swap3A_35, %swap3A_36] : memref<8x100x768xf32, #tpu.memory_space<vmem>>, vector<8x100x128xf32>
    tpu.vector_store %arg6[%swap3A_34, %swap3A_35, %swap3A_36], %get3A_33 {strides = array<i32>} : memref<8x100x768xf32, #tpu.memory_space<vmem>>, vector<8x100x128xf32>,
    return
  }
  func.func @transform_0(%arg0: i32) -> (i32, i32, i32) {
    %c0_i32 = arith.constant 0 : i32
    %c0_i32_0 = arith.constant 0 : i32
    %c0_i32_1 = arith.constant 0 : i32
    return %arg0, %c0_i32, %c0_i32_0 : i32, i32, i32
  }
  func.func @transform_1(%arg0: i32) -> (i32, i32, i32) {
    %c0_i32 = arith.constant 0 : i32
    %c0_i32_0 = arith.constant 0 : i32
    %c0_i32_1 = arith.constant 0 : i32
    return %arg0, %c0_i32, %c0_i32_0 : i32, i32, i32
  }
  func.func @transform_2(%arg0: i32) -> (i32, i32, i32) {
    %c0_i32 = arith.constant 0 : i32
    %c0_i32_0 = arith.constant 0 : i32
    %c0_i32_1 = arith.constant 0 : i32
    return %arg0, %c0_i32, %c0_i32_0 : i32, i32, i32
  }
  func.func @transform_3(%arg0: i32) -> (i32, i32, i32) {
    %c0_i32 = arith.constant 0 : i32
    %c0_i32_0 = arith.constant 0 : i32
    %c0_i32_1 = arith.constant 0 : i32
    return %arg0, %c0_i32, %c0_i32_0 : i32, i32, i32
  }
  func.func @transform_4(%arg0: i32) -> (i32, i32, i32) {
    %c0_i32 = arith.constant 0 : i32
    %c0_i32_0 = arith.constant 0 : i32
    %c0_i32_1 = arith.constant 0 : i32
    return %arg0, %c0_i32, %c0_i32_0 : i32, i32, i32
  }
  func.func @transform_5(%arg0: i32) -> (i32, i32, i32) {
    %c0_i32 = arith.constant 0 : i32
    %c0_i32_0 = arith.constant 0 : i32
    %c0_i32_1 = arith.constant 0 : i32
    return %arg0, %c0_i32, %c0_i32_0 : i32, i32, i32
  }
}

</mosaic_0001>

<sc_bundles>
// kernel: kernel.4.cloned.1.call-start
scs
__scs_entry_jumppad:
0x0: {  	(pc) =	sbr.rel $0x88, $3  }
0x1: {  	(tag) =	ssettag $0x0;
	lr =	simm.s32 $0x1  }
0x2: {  	[smem:$0x3F9A] =	sst lr;
	_ =	strace $0xD0000000  }
0x3: {  	_ = 	snop  }
0x4: {  	_ = 	snop  }
0x5: {  	_ = 	snop  }
0x6: {  	_ = 	snop  }
0x7: {  	_ = 	snop  }
__scs_overlays_trampoline_lowered:
0x8: {  	[smem:$0x3FA9] =	sst s0  }
0x9: {  	[smem:$0x3FAA] =	sst s1  }
0xa: {  	[smem:$0x3FAB] =	sst s2  }
0xb: {  	[smem:$0x3FAC] =	sst s3  }
0xc: {  	[smem:$0x3FAD] =	sst s4  }
0xd: {  	[smem:$0x3FAE] =	sst s5  }
0xe: {  	[smem:$0x3FAF] =	sst s6  }
0xf: {  	[smem:$0x3FB0] =	sst s7  }
0x10: {  	[smem:$0x3FB1] =	sst s8  }
0x11: {  	[smem:$0x3FB2] =	sst s9;
	s0 =	simm.s32 @!p0 $0x0  }
0x12: {  	s1 =	sld [smem:$0x3F98];
	s0 =	simm.s32 @p0 $0x1  }
0x13: {  	[smem:$0x3FB3] =	sst s0;
	s0 =	simm.s32 @!p1 $0x0  }
0x14: {  	s2 =	sld [smem:$0x3F97];
	s0 =	simm.s32 @p1 $0x1  }
0x15: {  	[smem:$0x3FB4] =	sst s0;
	s0 =	simm.s32 @!p2 $0x0  }
0x16: {  	s3 =	sld [smem:$0x3FDB];
	s0 =	simm.s32 @p2 $0x1  }
0x17: {  	s4 =	simm.s32 $0x1BF5;
	[smem:$0x3FB6] =	sst s0  }
0x18: {  	s0 =	sld [smem:$0x3F99];
	_ =	swait.ge [sflag:s4], $0x0  }
0x19: {  	s7 =	sld [smem:$0x3F9A]  }
0x1a: {  	s8 =	sadd.s32 $0xFFFFE003, lr  }
0x1b: {  	s9 =	sadd.s32 $0xFFFFFEF7, lr;
	s5 =	simm.s32 $0xFFFFFFFF;
	p2 =	slt.u32 s8, $0xFFFFF086  }
0x1c: {  	p1 =	slt.u32 s9, $0xF7A;
	s5 =	simm.s32 @!p2 $0x0  }
0x1d: {  	s5 =	simm.s32 @p1 $0x1;
	p0 =	seq.s32 s7, s2  }
0x1e: {  	s7 =	smul.u32 @!p0 $0xF7A, s2;
	p2 =	seq.s32 @!p0 s5, $0x0  }
0x1f: {  	s9 =	smul.u32 $0xF7A, s1;
	s8 =	simm.s32 @!p0 $0x1BF5;
	p2 =	por !p2, p0  }
0x20: {  	[sflag:s8] =	ssyncset.s32 @!p0 $0xFFFFF086;
	s6 =	sadd.s32 @!p0 s3, s7;
	s7 =	simm.s32 @!p0 $0x108  }
0x21: {  	s3 =	sadd.s32 s3, s9;
	s6 =	sadd.s32 @!p0 $0x88, s6;
	s7 =	simm.s32 @p2 $0x1082  }
0x22: {  	[simem:s7], [sflag:s8] =	dma.local @!p0 [hbm:s6], $0xF7A  }
0x23: {  	s9 =	sor.u32 $0xD0000000, s2;
	s6 =	simm.s32 $0x108;
	_ =	swait.ge @!p0 [sflag:s8], $0x0  }
0x24: {  	s3 =	sadd.s32 $0x88, s3;
	s6 =	simm.s32 @!p1 $0x1082;
	[sflag:s4] =	ssyncset.s32 $0xFFFFF086  }
0x25: {  	[simem:s6], [sflag:s4] =	dma.local [hbm:s3], $0xF7A  }
0x26: {  	[smem:$0x3F9A] =	sst s1;
	(tag) =	ssettag s2;
	_ =	strace s9  }
0x27: {  	s1 =	sld [smem:$0x3FAA]  }
0x28: {  	s2 =	sld [smem:$0x3FAB]  }
0x29: {  	s4 =	sld [smem:$0x3FAD]  }
0x2a: {  	p0 =	seq.s32 s5, $0x0;
	s5 =	sld [smem:$0x3FAE]  }
0x2b: {  	s6 =	sld [smem:$0x3FAF]  }
0x2c: {  	s7 =	sld [smem:$0x3FB0]  }
0x2d: {  	s3 =	simm.s32 $0x108;
	s8 =	sld [smem:$0x3FB1]  }
0x2e: {  	s3 =	simm.s32 @!p0 $0x1082;
	s9 =	sld [smem:$0x3FB2]  }
0x2f: {  	lr =	sadd.s32 s0, s3;
	s0 =	sld [smem:$0x3FA9]  }
0x30: {  	s3 =	sld [smem:$0x3FAC]  }
0x31: {  	[smem:$0x3FB5] =	sst s10  }
0x32: {  	s10 =	sld [smem:$0x3FB3];
	_ =	sdelay $0x3  }
0x33: {  	p0 =	seq.s32 s10, $0x1;
	s10 =	sld [smem:$0x3FB5];
	_ =	sdelay $0x3  }
0x34: {  	[smem:$0x3FB5] =	sst s10  }
0x35: {  	s10 =	sld [smem:$0x3FB4];
	_ =	sdelay $0x3  }
0x36: {  	p1 =	seq.s32 s10, $0x1;
	s10 =	sld [smem:$0x3FB5];
	_ =	sdelay $0x3  }
0x37: {  	[smem:$0x3FB5] =	sst s10  }
0x38: {  	s10 =	sld [smem:$0x3FB6]  }
0x39: {  	_ = 	snop;
	(pc) =	sbr.ind lr, $3  }
0x3a: {  	_ = 	snop  }
0x3b: {  	_ = 	snop  }
0x3c: {  	p2 =	seq.s32 s10, $0x1;
	s10 =	sld [smem:$0x3FB5]  }
0x3d: {  	_ =	shalt  }
0x3e: {  	_ =	shalt  }
0x3f: {  	_ =	shalt  }
0x40: {  	_ =	shalt  }
0x41: {  	_ =	shalt  }
0x42: {  	_ =	shalt  }
0x43: {  	_ =	shalt  }
0x44: {  	_ =	shalt  }
0x45: {  	_ =	shalt  }
0x46: {  	_ =	shalt  }
0x47: {  	_ =	shalt  }
0x48: {  	_ =	shalt  }
0x49: {  	_ =	shalt  }
0x4a: {  	_ =	shalt  }
0x4b: {  	_ =	shalt  }
0x4c: {  	_ =	shalt  }
0x4d: {  	_ =	shalt  }
0x4e: {  	_ =	shalt  }
0x4f: {  	_ =	shalt  }
0x50: {  	_ =	shalt  }
0x51: {  	_ =	shalt  }
0x52: {  	_ =	shalt  }
0x53: {  	_ =	shalt  }
0x54: {  	_ =	shalt  }
0x55: {  	_ =	shalt  }
0x56: {  	_ =	shalt  }
0x57: {  	_ =	shalt  }
0x58: {  	_ =	shalt  }
0x59: {  	_ =	shalt  }
0x5a: {  	_ =	shalt  }
0x5b: {  	_ =	shalt  }
0x5c: {  	_ =	shalt  }
0x5d: {  	_ =	shalt  }
0x5e: {  	_ =	shalt  }
0x5f: {  	_ =	shalt  }
0x60: {  	_ =	shalt  }
0x61: {  	_ =	shalt  }
0x62: {  	_ =	shalt  }
0x63: {  	_ =	shalt  }
0x64: {  	_ =	shalt  }
0x65: {  	_ =	shalt  }
0x66: {  	_ =	shalt  }
0x67: {  	_ =	shalt  }
0x68: {  	_ =	shalt  }
0x69: {  	_ =	shalt  }
0x6a: {  	_ =	shalt  }
0x6b: {  	_ =	shalt  }
0x6c: {  	_ =	shalt  }
0x6d: {  	_ =	shalt  }
0x6e: {  	_ =	shalt  }
0x6f: {  	_ =	shalt  }
0x70: {  	_ =	shalt  }
0x71: {  	_ =	shalt  }
0x72: {  	_ =	shalt  }
0x73: {  	_ =	shalt  }
0x74: {  	_ =	shalt  }
0x75: {  	_ =	shalt  }
0x76: {  	_ =	shalt  }
0x77: {  	_ =	shalt  }
0x78: {  	_ =	shalt  }
0x79: {  	_ =	shalt  }
0x7a: {  	_ =	shalt  }
0x7b: {  	_ =	shalt  }
0x7c: {  	_ =	shalt  }
0x7d: {  	_ =	shalt  }
0x7e: {  	_ =	shalt  }
0x7f: {  	_ =	shalt  }
0x80: {  	_ =	shalt  }
0x81: {  	_ =	shalt  }
0x82: {  	_ =	shalt  }
0x83: {  	_ =	shalt  }
0x84: {  	_ =	shalt  }
0x85: {  	_ =	shalt  }
0x86: {  	_ =	shalt  }
0x87: {  	_ =	shalt  }
.Lfunc_end0:
.L_simem_size_0:
called_computation.1_lowered:
.L_overlay_start_0:
0x88: {  	s2 =	sld [smem:$0x3FD9]  }
0x89: {  	s3 =	sld [smem:$0x3FFE];
	_ =	sdelay $0x1  }
0x8a: {  	s1 =	srdreg.scid  }
0x8b: {  	s0 =	sand.u32 $0x1, s1  }
0x8c: {  	s17 =	sshll.u32 s0, $0xA;
	s2 =	sadd.s32 s3, s2  }
0x8d: {  	s2 =	sadd.s32 s2, s17  }
0x8e: {  	[smem:$0x3FC1] =	sst s2  }
0x8f: {  	_ = 	snop  }
0x90: {  	s2 =	sld [smem:$0x3FC3];
	(tm) =	ssettm $0x1  }
0x91: {  	s18 =	sld [smem:$0x3FFB];
	_ =	sdelay $0x3  }
0x92: {  	_ =	strace s18  }
0x93: {  	s3 =	sld [smem:$0x3FFC];
	_ =	sdelay $0x3  }
0x94: {  	_ =	strace s3  }
0x95: {  	s3 =	sld [smem:$0x3FFD];
	_ =	sdelay $0x3  }
0x96: {  	_ =	strace s3  }
0x97: {  	_ =	strace $0x8FFFFFFF  }
0x98: {  	s19 =	sld [smem:$0x3FDB];
	_ =	sdelay $0x1  }
0x99: {  	s4 =	simm.s32 $_scs_section_size  }
0x9a: {  	s5 =	simm.s32 $_size__tile_overlayer_lowered;
	s6 =	simm.s32 $_tile_overlayer_lowered  }
0x9b: {  	s22 =	simm.s32 $0x1BFF;
	s21 =	sshll.u32 s6, $0x1;
	s3 =	sadd.s32 s4, s19  }
0x9c: {  	s7 =	simm.s32 $0x0;
	s20 =	sshll.u32 s5, $0x1;
	s5 =	sadd.s32 s21, s3  }
0x9d: {  	[timem:s7], [sflag:s22] =	dma.local [hbm:s5], s20  }
0x9e: {  	_ =	swait.ge [sflag:s22], s20  }
0x9f: {  	s4 =	ssub.s32 $0x0, s20;
	[sflag:s22] =	ssyncset.done $0x0  }
0xa0: {  	[sflag:s22] =	ssyncadd.s32 s4;
	_ =	sdelay $0x1  }
0xa1: {  	s23 =	simm.s32 $0x1B8B  }
0xa2: {  	_ =	swait.ge [sflag:s23], $0x1  }
0xa3: {  	[sflag:s23] =	ssyncset.done $0x0  }
0xa4: {  	s25 =	simm.s32 $0x1B8E;
	s24 =	sld [smem:$0x3FFE];
	[sflag:s23] =	ssyncadd.s32 $0xFFFFFFFF  }
0xa5: {  	s26 =	simm.s32 $execute0_lowered;
	[smem:$0x3FD2] =	sst s25  }
0xa6: {  	s5 =	sshll.u32 s26, $0x1;
	_ =	strace $0x80000046;
	[dreg:$0x1] =	wrdreg $0xFFFFFFFF  }
0xa7: {  	s28 =	simm.s32 $_size_execute0_lowered;
	s3 =	sadd.s32 s3, s5;
	[dreg:$0x0] =	wrdreg $0x0  }
0xa8: {  	s5 =	sshll.u32 s28, $0x1;
	[dreg:$0x2] =	wrdreg s3  }
0xa9: {  	[dreg:$0x3] =	wrdreg s5  }
0xaa: {  	[dreg:$0x4] =	wrdreg $0xC0  }
0xab: {  	_ =	task [dreg:s7], $0x5FFFF  }
0xac: {  	[dreg:$0x1] =	wrdreg $0xFFFFFFFF  }
0xad: {  	[dreg:$0x0] =	wrdreg $0x60  }
0xae: {  	[dreg:$0x2] =	wrdreg s2  }
0xaf: {  	[dreg:$0x3] =	wrdreg s24  }
0xb0: {  	[dreg:$0x4] =	wrdreg $0x9  }
0xb1: {  	_ =	task.clear_ibuf [dreg:s7], $0x5FFFF;
	_ =	strace $0x90000046  }
0xb2: {  	s29 =	simm.s32 $0x9;
	_ =	strace $0x80000048  }
0xb3: {  	_ =	swait.ge [sflag:s29], $0x1  }
0xb4: {  	[sflag:s29] =	ssyncadd.s32 $0xFFFFFFFF  }
0xb5: {  	_ =	strace $0x90000048  }
0xb6: {  	_ =	sfence  }
0xb7: {  	s30 =	sld [smem:$0x0];
	_ =	sdelay $0x2  }
0xb8: {  	s31 =	sshll.u32 s1, $0xD;
	s1 =	sshrl.u32 s1, $0x2  }
0xb9: {  	s3 =	sand.u32 $0x4000, s31;
	s1 =	sadd.s32 s1, s30  }
0xba: {  	s0 =	sor.u32 s3, s0;
	s1 =	sshll.u32 s1, $0x11  }
0xbb: {  	s0 =	sor.u32 s1, s0  }
0xbc: {  	s0 =	sadd.s32 $0x8F2B, s0  }
0xbd: {  	[sflag:s0] =	ssyncadd.remote.s32 $0x1  }
0xbe: {  	_ =	sfence.sel $0xFFFF  }
0xbf: {  	[dreg:$0x0] =	wrdreg $0xFFFFFFFF;
	(pc) =	sbr.abs _section_cstart, $3  }
0xc0: {  	[dreg:$0x1] =	wrdreg $0xFFFFFFFF  }
0xc1: {  	_ =	task.clear_ibuf [dreg:s7], $0x2FFFF;
	_ =	strace $0x9FFFFFFF  }
0xc2: {  	(tm) =	ssettm $0x7FFFFFFF  }
0xc3: {  	_ =	shalt  }
tec
execute0_lowered:
.L_overlay_start_1:
0x0: {  	(tag) =	ssettag $0x1  }
0x1: {  	s2 =	rddreg [dreg:$0x0];
	s1 =	srdreg.scid  }
0x2: {  	s0 =	stileid.u32;
	s4 =	rddreg [dreg:$0x1];
	s3 =	simm.s32 $0x0  }
0x3: {  	s10 =	simm.s32 $0x400;
	s11 =	simm.s32 $0x0;
	s6 =	smul.u32 $0x1900, s0  }
0x4: {  	s5 =	sand.u32 $0x1, s1;
	s1 =	rddreg [dreg:$0x2];
	s8 =	smul.u32 $0xC8000, s0  }
0x5: {  	[smem:$0x7FF] =	sst s3;
	s7 =	smul.u32 $0xC80, s5;
	s9 =	ssub.s32 $0x2, s5  }
0x6: {  	_ =	strace $0x80000047;
	s5 =	smul.u32 $0x64000, s5;
	s31 =	sshrl.u32 s9, $0x1  }
0x7: {  	s30 =	sadd.s32 s8, s4;
	s6 =	sadd.s32 s7, s6;
	s8 =	ssub.s32 s9, s31  }
0x8: {  	s5 =	sadd.s32 s5, s30;
	s7 =	simm.s32 $0x2;
	s6 =	sshrl.u32 s6, $0x3  }
0x9: {  	s9 =	simm.s32 $0x1;
	s5 =	sadd.s32 $0x1043A50, s5;
	s6 =	sadd.s32 s6, s4  }
0xa: {  	s4 =	smax.u32 s8, $0x1;
	s8 =	simm.s32 $0x80;
	s6 =	sadd.s32 $0x800, s6  }
.LBB2_1:
0xb: {  	s12 =	sadd.s32 $0x0, s6  }
0xc: {  	[tilespmem:s3], [sflag:$0x2] =	stream.linear.gather [hbm4b:s12+s3], $0x80, $0x38;
	[tilespmem:$0x4080] =	vst v63  }
0xd: {  	_ =	swait.ge [sflag:s7], $0x80  }
0xe: {  	[sflag:s7] =	ssyncset.done $0x0  }
0xf: {  	[sflag:s7] =	ssyncadd.s32 $0xFFFFFF80  }
0x10: {  	[tilespmem:s8], [sflag:$0x1] =	stream.indirect.gather [hbm4b:s2+s8], $0x80, s3, s8, $0xb8;
	[tilespmem:$0x4080] =	vst v63  }
0x11: {  	_ =	swait.ge [sflag:s9], $0x4000  }
0x12: {  	[sflag:s9] =	ssyncset.done $0x0  }
0x13: {  	[sflag:s9] =	ssyncadd.s32 $0xFFFFC000  }
0x14: {  	[hbm4b:s5+s8] =	stream.strided.scatter [tilespmem:s8], [sflag:$0x2], $0x4000, s10, s8, $0x38;
	[tilespmem:$0x4080] =	vst v63  }
0x15: {  	s13 =	simm.s32 $0x10;
	_ =	swait.ge [sflag:s7], $0x4000  }
0x16: {  	s14 =	simm.s32 $0x20;
	s12 =	sadd.s32 $0x4000, s5;
	[sflag:s7] =	ssyncset.done $0x0  }
.LBB2_2:
0x17: {  	s15 =	sadd.s32 s13, s6  }
0x18: {  	[sflag:s7] =	ssyncadd.s32 $0xFFFFC000;
	s13 =	smov.u32 s14;
	s16 =	sadd.s32 $0x10, s14  }
0x19: {  	[tilespmem:s3], [sflag:$0x2] =	stream.linear.gather [hbm4b:s15+s3], $0x80, $0x38;
	[tilespmem:$0x4080] =	vst v63  }
0x1a: {  	p0 =	sne.s32 s14, $0x180;
	_ =	swait.ge [sflag:s7], $0x80  }
0x1b: {  	[sflag:s7] =	ssyncset.done $0x0  }
0x1c: {  	[sflag:s7] =	ssyncadd.s32 $0xFFFFFF80  }
0x1d: {  	[tilespmem:s8], [sflag:$0x1] =	stream.indirect.gather [hbm4b:s2+s8], $0x80, s3, s8, $0xb8;
	[tilespmem:$0x4080] =	vst v63  }
0x1e: {  	_ =	swait.ge [sflag:s9], $0x4000  }
.Ltmp0:
0x1f: {  	[sflag:s9] =	ssyncset.done $0x0;
	(pc) =	sbr.rel @p0 .LBB2_2-.Ltmp0, $4  }
0x20: {  	[sflag:s9] =	ssyncadd.s32 $0xFFFFC000  }
0x21: {  	[hbm4b:s12+s8] =	stream.strided.scatter [tilespmem:s8], [sflag:$0x2], $0x4000, s10, s8, $0x38;
	[tilespmem:$0x4080] =	vst v63  }
0x22: {  	_ =	swait.ge [sflag:s7], $0x4000  }
0x23: {  	s14 =	smov.u32 s16;
	s12 =	sadd.s32 $0x4000, s12;
	[sflag:s7] =	ssyncset.done $0x0  }
0x24: {  	s13 =	sadd.s32 s13, s6;
	[sflag:s7] =	ssyncadd.s32 $0xFFFFC000  }
0x25: {  	[tilespmem:s3], [sflag:$0x2] =	stream.linear.gather [hbm4b:s13+s3], $0x80, $0x38;
	[tilespmem:$0x4080] =	vst v63  }
0x26: {  	_ =	swait.ge [sflag:s7], $0x80  }
0x27: {  	[sflag:s7] =	ssyncset.done $0x0  }
0x28: {  	[sflag:s7] =	ssyncadd.s32 $0xFFFFFF80  }
0x29: {  	[tilespmem:s8], [sflag:$0x1] =	stream.indirect.gather [hbm4b:s2+s8], $0x80, s3, s8, $0xb8;
	[tilespmem:$0x4080] =	vst v63  }
0x2a: {  	s11 =	sadd.s32 $0x1, s11;
	_ =	swait.ge [sflag:s9], $0x4000  }
0x2b: {  	p0 =	sne.s32 s11, s4;
	[sflag:s9] =	ssyncset.done $0x0  }
.Ltmp1:
0x2c: {  	[sflag:s9] =	ssyncadd.s32 $0xFFFFC000;
	(pc) =	sbr.rel @p0 .LBB2_1-.Ltmp1, $4  }
0x2d: {  	[hbm4b:s12+s8] =	stream.strided.scatter [tilespmem:s8], [sflag:$0x2], $0x4000, s10, s8, $0x38;
	[tilespmem:$0x4080] =	vst v63  }
0x2e: {  	_ =	swait.ge [sflag:s7], $0x4000  }
0x2f: {  	[sflag:s7] =	ssyncset.done $0x0  }
0x30: {  	[sflag:s7] =	ssyncadd.s32 $0xFFFFC000  }
0x31: {  	_ =	sfence.sel $0x180000  }
0x32: {  	[bflag:$0x0] =	sbarrier.arrive $0xFFFF  }
0x33: {  	p0 =	sne.s32 s0, $0x0;
	_ =	strace $0x90000047  }
0x34: {  	s0 =	sadd.s32 @!p0 $0x100000, s1;
	[bflag:$0x2] =	sbarrier.arrive $0xFFFF  }
0x35: {  	[sflag:s0] =	ssyncadd.tile.s32 @!p0 $0x1;
	_ =	shalt  }
.Lfunc_end2:
_tile_overlayer_lowered:
.L_overlay_start_2:
0x36: {  	(tag) =	ssettag $0x2  }
0x37: {  	s0 =	rddreg [dreg:$0x0];
	s2 =	stileid.u32  }
0x38: {  	s1 =	rddreg [dreg:$0x1];
	p0 =	sne.s32 s2, $0x0  }
0x39: {  	s3 =	rddreg [dreg:$0x2];
	[bflag:$0x3] =	sbarrier.arrive $0xFFFF;
	s2 =	simm.s32 @!p0 $0x1C02  }
0x3a: {  	[timem:s3], [sflag:s2] =	dma.local @!p0 [hbm:s0], s1  }
0x3b: {  	s0 =	simm.s32 @!p0 $0x2  }
0x3c: {  	_ =	swait.ge @!p0 [sflag:s0], s1  }
0x3d: {  	s1 =	ssub.s32 @!p0 $0x0, s1;
	[sflag:s0] =	ssyncset.done @!p0 $0x0  }
0x3e: {  	[sflag:s0] =	ssyncadd.s32 @!p0 s1  }
0x3f: {  	[bflag:$0x3] =	sbarrier.arrive $0xFFFF  }
0x40: {  	_ =	shalt  }

// kernel: sparse-core-data-format-call.cloned.1.call-start
scs
called_computation_lowered:
.L_overlay_start_0:
0x0: {  	s2 =	sld [smem:$0x3FD9]  }
0x1: {  	s3 =	sld [smem:$0x3FFE];
	_ =	sdelay $0x1  }
0x2: {  	s1 =	srdreg.scid  }
0x3: {  	s0 =	sand.u32 $0x1, s1  }
0x4: {  	s18 =	sshll.u32 s0, $0xA;
	s2 =	sadd.s32 s3, s2  }
0x5: {  	s2 =	sadd.s32 s2, s18  }
0x6: {  	[smem:$0x3FC1] =	sst s2  }
0x7: {  	_ = 	snop  }
0x8: {  	s2 =	sld [smem:$0x3FD0];
	(tm) =	ssettm $0x1  }
0x9: {  	s19 =	sld [smem:$0x3FFB];
	_ =	sdelay $0x3  }
0xa: {  	_ =	strace s19  }
0xb: {  	s3 =	sld [smem:$0x3FFC];
	_ =	sdelay $0x3  }
0xc: {  	_ =	strace s3  }
0xd: {  	s3 =	sld [smem:$0x3FFD];
	_ =	sdelay $0x3  }
0xe: {  	_ =	strace s3  }
0xf: {  	_ =	strace $0x8FFFFFFF  }
0x10: {  	s20 =	sld [smem:$0x3FDB];
	_ =	sdelay $0x1  }
0x11: {  	s4 =	simm.s32 $_scs_section_size  }
0x12: {  	s5 =	simm.s32 $_size__tile_overlayer_lowered;
	s6 =	simm.s32 $_tile_overlayer_lowered  }
0x13: {  	s23 =	simm.s32 $0x1BFF;
	s22 =	sshll.u32 s6, $0x1;
	s3 =	sadd.s32 s4, s20  }
0x14: {  	s7 =	simm.s32 $0x0;
	s21 =	sshll.u32 s5, $0x1;
	s5 =	sadd.s32 s22, s3  }
0x15: {  	[timem:s7], [sflag:s23] =	dma.local [hbm:s5], s21  }
0x16: {  	_ =	swait.ge [sflag:s23], s21  }
0x17: {  	s4 =	ssub.s32 $0x0, s21;
	[sflag:s23] =	ssyncset.done $0x0  }
0x18: {  	[sflag:s23] =	ssyncadd.s32 s4;
	_ =	sdelay $0x1  }
0x19: {  	s24 =	simm.s32 $0x1B8B  }
0x1a: {  	_ =	swait.ge [sflag:s24], $0x1  }
0x1b: {  	[sflag:s24] =	ssyncset.done $0x0  }
0x1c: {  	s26 =	simm.s32 $0x1B8E;
	s25 =	sld [smem:$0x3FFE];
	[sflag:s24] =	ssyncadd.s32 $0xFFFFFFFF  }
0x1d: {  	s27 =	simm.s32 $execute0_lowered;
	[smem:$0x3FD2] =	sst s26  }
0x1e: {  	s5 =	sshll.u32 s27, $0x1;
	_ =	strace $0x80000049;
	[dreg:$0x1] =	wrdreg $0xFFFFFFFF  }
0x1f: {  	s28 =	simm.s32 $_size_execute0_lowered;
	s3 =	sadd.s32 s3, s5;
	[dreg:$0x0] =	wrdreg $0x0  }
0x20: {  	s5 =	sshll.u32 s28, $0x1;
	[dreg:$0x2] =	wrdreg s3  }
0x21: {  	[dreg:$0x3] =	wrdreg s5  }
0x22: {  	[dreg:$0x4] =	wrdreg $0xC0  }
0x23: {  	_ =	task [dreg:s7], $0x5FFFF  }
0x24: {  	[dreg:$0x1] =	wrdreg $0xFFFFFFFF  }
0x25: {  	[dreg:$0x0] =	wrdreg $0x60  }
0x26: {  	[dreg:$0x2] =	wrdreg s25  }
0x27: {  	[dreg:$0x3] =	wrdreg s2  }
0x28: {  	[dreg:$0x4] =	wrdreg $0x9  }
0x29: {  	_ =	task.clear_ibuf [dreg:s7], $0x5FFFF;
	_ =	strace $0x90000049  }
0x2a: {  	s29 =	simm.s32 $0x9;
	_ =	strace $0x8000004B  }
0x2b: {  	_ =	swait.ge [sflag:s29], $0x1  }
0x2c: {  	[sflag:s29] =	ssyncadd.s32 $0xFFFFFFFF  }
0x2d: {  	_ =	strace $0x9000004B  }
0x2e: {  	_ =	sfence  }
0x2f: {  	s30 =	sld [smem:$0x0];
	_ =	sdelay $0x2  }
0x30: {  	s31 =	sshll.u32 s1, $0xD;
	s1 =	sshrl.u32 s1, $0x2  }
0x31: {  	s3 =	sand.u32 $0x4000, s31;
	s1 =	sadd.s32 s1, s30  }
0x32: {  	s0 =	sor.u32 s3, s0;
	s1 =	sshll.u32 s1, $0x11  }
0x33: {  	s0 =	sor.u32 s1, s0  }
0x34: {  	s0 =	sadd.s32 $0x8F2B, s0  }
0x35: {  	[sflag:s0] =	ssyncadd.remote.s32 $0x1  }
0x36: {  	_ =	sfence.sel $0xFFFF  }
0x37: {  	[dreg:$0x0] =	wrdreg $0xFFFFFFFF;
	(pc) =	sbr.abs _section_cstart, $3  }
0x38: {  	[dreg:$0x1] =	wrdreg $0xFFFFFFFF  }
0x39: {  	_ =	task.clear_ibuf [dreg:s7], $0x2FFFF;
	_ =	strace $0x9FFFFFFF  }
0x3a: {  	(tm) =	ssettm $0x7FFFFFFF  }
0x3b: {  	_ =	shalt  }
tec
execute0_lowered:
.L_overlay_start_1:
0x0: {  	(tag) =	ssettag $0x1  }
0x1: {  	s4 =	rddreg [dreg:$0x0]  }
0x2: {  	s0 =	stileid.u32;
	s2 =	rddreg [dreg:$0x1]  }
0x3: {  	s7 =	srdreg.scid;
	s8 =	simm.s32 $0x2;
	s16 =	simm.s32 $0x0  }
0x4: {  	s9 =	simm.s32 $0x1800;
	s10 =	simm.s32 $0x0;
	s1 =	sshll.u32 s0, $0x7  }
0x5: {  	s15 =	simm.s32 $0x0;
	s17 =	simm.s32 $0x0;
	s3 =	sand.u32 $0x380, s1  }
0x6: {  	s11 =	simm.s32 $0x0;
	s14 =	simm.s32 $0x0;
	s5 =	ssub.s32 $0x400, s3  }
0x7: {  	s7 =	sshll.u32 s7, $0x4;
	s4 =	sadd.s32 $0x800, s4;
	s6 =	sand.u32 $0x380, s5  }
0x8: {  	s1 =	rddreg [dreg:$0x2];
	p0 =	sne.s32 s6, $0x0;
	s6 =	simm.s32 $0x1  }
.Ltmp0:
0x9: {  	s5 =	sshrl.u32 s5, $0xA;
	s6 =	simm.s32 @!p0 $0x0;
	(pc) =	sbr.rel .LBB1_1-.Ltmp0, $4  }
0xa: {  	_ =	strace $0x8000004A;
	s7 =	sand.u32 $0x10, s7;
	s6 =	sadd.s32 s6, s5  }
0xb: {  	s7 =	sor.u32 s0, s7;
	s5 =	simm.s32 $0x1;
	s6 =	smul.u32 $0x96, s6  }
0xc: {  	s13 =	smov.u32 s3;
	s7 =	sshrl.u32 s7, $0x3;
	[sflag:s5] =	ssyncpa.u1 $0x0  }
0xd: {  	s12 =	smov.u32 s7;
	[sflag:s8] =	ssyncpa.u1 $0x0;
	s8 =	sor.u32 $0x1, s6  }
.LBB1_4:
0xe: {  	_ =	sdelay $0x2  }
0xf: {  	s21 =	sshrl.u32 s17, $0x3  }
0x10: {  	[tilespmem:v0+s20+$0xFFFFFFD0 ss:$0x1] =	vst.idx.msk $0xffff, v7;
	s22 =	sshll.u32 s16, $0x3;
	s21 =	smul.u32 $0x1800, s21  }
0x11: {  	v56 =	vld.idx.msk [tilespmem:v1+s19+$0x0 ss:$0x1], $0xffff;
	[tilespmem:v0+s20+$0xFFFFFFE0 ss:$0x1] =	vst.idx.msk $0xffff, v5;
	s27 =	sshll.u32 s17, $0x7;
	s22 =	sand.u32 $0xFFFFFC00, s22  }
0x12: {  	v57 =	vld.idx.msk [tilespmem:v1+s19+$0xFFFFFF90 ss:$0x1], $0xffff;
	[tilespmem:v0+s20+$0xFFFFFFF0 ss:$0x1] =	vst.idx.msk $0xffff, v4;
	s17 =	sand.u32 $0x380, s27;
	s21 =	sadd.s32 s21, s22  }
0x13: {  	v58 =	vld.idx.msk [tilespmem:v1+s19+$0xFFFFFFA0 ss:$0x1], $0xffff;
	[tilespmem:v0+s20+$0x0 ss:$0x1] =	vst.idx.msk $0xffff, v2;
	s28 =	sand.u32 $0x7F, s16;
	s17 =	sor.u32 s17, s21  }
0x14: {  	v59 =	vld.idx.msk [tilespmem:v1+s19+$0xFFFFFFB0 ss:$0x1], $0xffff;
	[tilespmem:v0+s20+$0x10 ss:$0x1] =	vst.idx.msk $0xffff, v3;
	s16 =	sor.u32 s28, s17  }
0x15: {  	v60 =	vld.idx.msk [tilespmem:v1+s19+$0xFFFFFFC0 ss:$0x1], $0xffff;
	[tilespmem:v0+s20+$0x20 ss:$0x1] =	vst.idx.msk $0xffff, v6;
	s29 =	smulhi.u32 $0xAAAAAAAB, s16  }
0x16: {  	v61 =	vld.idx.msk [tilespmem:v1+s19+$0xFFFFFFD0 ss:$0x1], $0xffff;
	[tilespmem:v0+s19+$0x30 ss:$0x1] =	vst.idx.msk $0xffff, v56;
	s17 =	smulhi.u32 $0xAAAAAAAB, s17  }
0x17: {  	v62 =	vld.idx.msk [tilespmem:v1+s19+$0xFFFFFFE0 ss:$0x1], $0xffff;
	[tilespmem:v0+s19+$0xFFFFFFC0 ss:$0x1] =	vst.idx.msk $0xffff, v57;
	s20 =	sshrl.u32 s29, $0x9  }
0x18: {  	v63 =	vld.idx.msk [tilespmem:v1+s19+$0xFFFFFFF0 ss:$0x1], $0xffff;
	[tilespmem:v0+s19+$0xFFFFFFD0 ss:$0x1] =	vst.idx.msk $0xffff, v58;
	s17 =	sshrl.u32 s17, $0x9;
	s20 =	smul.u32 $0x300, s20  }
0x19: {  	s15 =	smul.u32 $0x18000, s15;
	[tilespmem:v0+s19+$0xFFFFFFE0 ss:$0x1] =	vst.idx.msk $0xffff, v59;
	s17 =	sand.u32 $0x3FF, s17  }
0x1a: {  	[tilespmem:v0+s19+$0xFFFFFFF0 ss:$0x1] =	vst.idx.msk $0xffff, v60;
	s17 =	smul.u32 $0x60, s17;
	s16 =	ssub.s32 s16, s20  }
0x1b: {  	s15 =	sadd.s32 s2, s15;
	[tilespmem:v0+s19+$0x0 ss:$0x1] =	vst.idx.msk $0xffff, v61;
	s20 =	sand.u32 $0x7, s16  }
0x1c: {  	[tilespmem:v0+s19+$0x10 ss:$0x1] =	vst.idx.msk $0xffff, v62;
	s15 =	sadd.s32 s17, s15;
	s16 =	sshrl.u32 s16, $0x3;
	s30 =	sshll.u32 s20, $0x12  }
0x1d: {  	[tilespmem:v0+s19+$0x20 ss:$0x1] =	vst.idx.msk $0xffff, v63;
	s15 =	sadd.s32 s16, s15;
	s31 =	sor.u32 $0x400, s30  }
0x1e: {  	[hbm4b:s15+s31] =	stream.strided.scatter [tilespmem:s18], [sflag:$0x2], $0x4000, s9, s31, $0x38;
	[tilespmem:$0x10000] =	vst v63  }
.LBB1_5:
0x1f: {  	s18 =	sadd.s32 $0x80, s11  }
0x20: {  	s15 =	sadd.s32 $0x4, s12;
	s19 =	smov.u32 s12;
	p1 =	sgt.s32 s18, $0x2FF  }
0x21: {  	s19 =	smov.u32 @p1 s15  }
0x22: {  	s21 =	smov.u32 s13;
	s15 =	sadd.s32 $0x400, s13;
	p2 =	sgt.s32 s19, $0x63  }
0x23: {  	s21 =	smov.u32 @p2 s15  }
0x24: {  	s18 =	simm.s32 @p1 $0x0;
	p1 =	sgt.s32 s21, $0x3FF  }
0x25: {  	p0 =	slt.u32 s14, $0x2;
	s21 =	smov.u32 @p1 s3;
	p1 =	sne.s32 s14, s8  }
.Ltmp1:
0x26: {  	s20 =	simm.s32 @!p0 $0x2;
	(pc) =	sbr.rel @!p1 .LBB1_6-.Ltmp1, $4  }
0x27: {  	s16 =	smov.u32 s11;
	s17 =	smov.u32 s13;
	_ =	swait.ge @!p0 [sflag:s20], $0x4000  }
0x28: {  	s10 =	sadd.s32 $0x4000, s10;
	[sflag:s20] =	ssyncset.done @!p0 $0x0;
	s11 =	smov.u32 s18  }
0x29: {  	s19 =	smov.u32 @p2 s7;
	s15 =	smov.u32 s12;
	[sflag:s20] =	ssyncadd.s32 @!p0 $0xFFFFC000  }
0x2a: {  	s12 =	smov.u32 s19;
	s14 =	sadd.s32 $0x1, s14;
	s13 =	smov.u32 s21  }
.LBB1_1:
0x2b: {  	p0 =	sge.u32 s14, s6  }
0x2c: {  	s18 =	sshrl.u32 @!p0 s12, $0x3  }
0x2d: {  	s19 =	sshll.u32 @!p0 s11, $0x3;
	s18 =	smul.u32 @!p0 $0x1800, s18  }
0x2e: {  	s20 =	sshll.u32 @!p0 s12, $0x7;
	s19 =	sand.u32 @!p0 $0xFFFFFC00, s19  }
0x2f: {  	s18 =	sadd.s32 @!p0 s18, s19;
	s19 =	sand.u32 @!p0 $0x380, s20  }
0x30: {  	s18 =	sor.u32 @!p0 s19, s18  }
0x31: {  	s19 =	sand.u32 @!p0 $0x7F, s11;
	s20 =	smulhi.u32 @!p0 $0xAAAAAAAB, s18  }
0x32: {  	s18 =	sor.u32 @!p0 s19, s18  }
0x33: {  	s19 =	smulhi.u32 @!p0 $0xAAAAAAAB, s18;
	s20 =	sshrl.u32 @!p0 s20, $0x9  }
0x34: {  	s21 =	smulhi.u32 @!p0 $0x2762763, s20;
	_ =	sdelay $0x1  }
0x35: {  	s19 =	sshrl.u32 @!p0 s19, $0x9;
	s21 =	smul.u32 @!p0 $0x68, s21  }
0x36: {  	s31 =	sadd.s32 $0xFFFFFFFF, s14;
	s19 =	smul.u32 @!p0 $0x300, s19  }
0x37: {  	s22 =	sxor.u32 @!p0 $0xFFFFFFFF, s14;
	s20 =	ssub.s32 @!p0 s20, s21;
	s21 =	smul.u32 @!p0 $0x2700, s13  }
0x38: {  	s22 =	sshll.u32 @!p0 s22, $0xE;
	s18 =	ssub.s32 @!p0 s18, s19;
	s19 =	smul.u32 @!p0 $0x60, s20  }
0x39: {  	s20 =	sand.u32 @!p0 $0x4000, s22;
	s22 =	sand.u32 @!p0 $0x7, s18;
	s21 =	sadd.s32 @!p0 s4, s21  }
0x3a: {  	s18 =	sshrl.u32 @!p0 s18, $0x3;
	s19 =	sadd.s32 @!p0 s19, s21;
	s21 =	sshll.u32 @!p0 s22, $0x12  }
0x3b: {  	s18 =	sadd.s32 @!p0 s18, s19;
	s19 =	sor.u32 @!p0 $0x80, s21;
	s21 =	simm.s32 @!p0 $0x13800  }
0x3c: {  	[tilespmem:s20], [sflag:$0x1] =	stream.strided.gather @!p0 [hbm4b:s18+s19], $0x4000, s21, s19, $0x38;
	[tilespmem:$0x10000] =	vst v63  }
0x3d: {  	p0 =	sge.u32 s31, s6  }
.Ltmp2:
0x3e: {  	_ = 	snop;
	(pc) =	sbr.rel @p0 .LBB1_5-.Ltmp2, $1  }
0x3f: {  	_ =	sdelay $0x3  }
0x40: {  	s18 =	sand.u32 $0x4000, s10  }
0x41: {  	s19 =	sor.u32 $0x70, s18  }
0x42: {  	v1 =	vmov s19;
	_ =	sdelay $0x1  }
0x43: {  	_ =	swait.ge [sflag:s5], $0x4000  }
0x44: {  	[sflag:s5] =	ssyncset.done $0x0  }
0x45: {  	s20 =	simm.s32 $0x0;
	[sflag:s5] =	ssyncadd.s32 $0xFFFFC000  }
0x46: {  	s18 =	sor.u32 $0x8040, s18;
	v6 =	vld.idx.msk [tilespmem:v1+s20+$0x0 ss:$0x1], $0xffff  }
0x47: {  	v0 =	vmov s18;
	v8 =	vld.idx.msk [tilespmem:v1+s20+$0xFFFFFF90 ss:$0x1], $0xffff  }
0x48: {  	v7 =	vld.idx.msk [tilespmem:v1+s20+$0xFFFFFFA0 ss:$0x1], $0xffff  }
0x49: {  	v5 =	vld.idx.msk [tilespmem:v1+s20+$0xFFFFFFB0 ss:$0x1], $0xffff  }
0x4a: {  	v4 =	vld.idx.msk [tilespmem:v1+s20+$0xFFFFFFC0 ss:$0x1], $0xffff  }
0x4b: {  	s31 =	sshll.u32 s14, $0xE;
	v2 =	vld.idx.msk [tilespmem:v1+s20+$0xFFFFFFD0 ss:$0x1], $0xffff  }
0x4c: {  	s18 =	sand.u32 $0x4000, s31;
	v3 =	vld.idx.msk [tilespmem:v1+s20+$0xFFFFFFE0 ss:$0x1], $0xffff;
	[tilespmem:v0+s20+$0x30 ss:$0x1] =	vst.idx.msk $0xffff, v6  }
0x4d: {  	s21 =	simm.s32 $0x400;
	s19 =	simm.s32 $0x80;
	s18 =	sor.u32 $0x8000, s18;
	[tilespmem:v0+s20+$0xFFFFFFC0 ss:$0x1] =	vst.idx.msk $0xffff, v8;
	v6 =	vld.idx.msk [tilespmem:v1+s20+$0xFFFFFFF0 ss:$0x1], $0xffff  }
.LBB1_3:
0x4e: {  	p0 =	sne.s32 s21, $0xFE00;
	v8 =	vld.idx.msk [tilespmem:v1+s19+$0x0 ss:$0x1], $0xffff;
	[tilespmem:v0+s20+$0xFFFFFFD0 ss:$0x1] =	vst.idx.msk $0xffff, v7  }
0x4f: {  	v9 =	vld.idx.msk [tilespmem:v1+s19+$0xFFFFFF90 ss:$0x1], $0xffff;
	[tilespmem:v0+s20+$0xFFFFFFE0 ss:$0x1] =	vst.idx.msk $0xffff, v5  }
0x50: {  	v7 =	vld.idx.msk [tilespmem:v1+s19+$0xFFFFFFA0 ss:$0x1], $0xffff;
	[tilespmem:v0+s20+$0xFFFFFFF0 ss:$0x1] =	vst.idx.msk $0xffff, v4  }
.Ltmp3:
0x51: {  	v5 =	vld.idx.msk [tilespmem:v1+s19+$0xFFFFFFB0 ss:$0x1], $0xffff;
	[tilespmem:v0+s20+$0x0 ss:$0x1] =	vst.idx.msk $0xffff, v2;
	(pc) =	sbr.rel @p0 .LBB1_3-.Ltmp3, $4  }
0x52: {  	v4 =	vld.idx.msk [tilespmem:v1+s19+$0xFFFFFFC0 ss:$0x1], $0xffff;
	[tilespmem:v0+s20+$0x10 ss:$0x1] =	vst.idx.msk $0xffff, v3  }
0x53: {  	v2 =	vld.idx.msk [tilespmem:v1+s19+$0xFFFFFFD0 ss:$0x1], $0xffff;
	[tilespmem:v0+s20+$0x20 ss:$0x1] =	vst.idx.msk $0xffff, v6;
	s20 =	smov.u32 s19  }
0x54: {  	v3 =	vld.idx.msk [tilespmem:v1+s20+$0xFFFFFFE0 ss:$0x1], $0xffff;
	[tilespmem:v0+s20+$0x30 ss:$0x1] =	vst.idx.msk $0xffff, v8  }
0x55: {  	s19 =	sshra.s32 s21, $0x2;
	s21 =	sadd.s32 $0x200, s21;
	[tilespmem:v0+s20+$0xFFFFFFC0 ss:$0x1] =	vst.idx.msk $0xffff, v9;
	v6 =	vld.idx.msk [tilespmem:v1+s20+$0xFFFFFFF0 ss:$0x1], $0xffff  }
.Ltmp4:
0x56: {  	_ = 	snop;
	(pc) =	sbr.rel .LBB1_4-.Ltmp4, $1  }
0x57: {  	_ =	sdelay $0x3  }
.LBB1_6:
0x58: {  	_ =	sfence.sel $0x180000  }
0x59: {  	s2 =	simm.s32 $0x1;
	[bflag:$0x0] =	sbarrier.arrive $0xFFFF  }
0x5a: {  	s31 =	simm.s32 $0x2;
	[sflag:s2] =	ssyncpa.u1 $0x1  }
0x5b: {  	[sflag:s31] =	ssyncpa.u1 $0x1  }
0x5c: {  	p0 =	sne.s32 s0, $0x0;
	_ =	strace $0x9000004A  }
0x5d: {  	s0 =	sadd.s32 @!p0 $0x100000, s1;
	[bflag:$0x2] =	sbarrier.arrive $0xFFFF  }
0x5e: {  	[sflag:s0] =	ssyncadd.tile.s32 @!p0 $0x1;
	_ =	shalt  }
.Lfunc_end1:
_tile_overlayer_lowered:
.L_overlay_start_2:
0x5f: {  	(tag) =	ssettag $0x2  }
0x60: {  	s0 =	rddreg [dreg:$0x0];
	s2 =	stileid.u32  }
0x61: {  	s1 =	rddreg [dreg:$0x1];
	p0 =	sne.s32 s2, $0x0  }
0x62: {  	s3 =	rddreg [dreg:$0x2];
	[bflag:$0x3] =	sbarrier.arrive $0xFFFF;
	s2 =	simm.s32 @!p0 $0x1C01  }
0x63: {  	[timem:s3], [sflag:s2] =	dma.local @!p0 [hbm:s0], s1  }
0x64: {  	s0 =	simm.s32 @!p0 $0x1  }
0x65: {  	_ =	swait.ge @!p0 [sflag:s0], s1  }
0x66: {  	s1 =	ssub.s32 @!p0 $0x0, s1;
	[sflag:s0] =	ssyncset.done @!p0 $0x0  }
0x67: {  	[sflag:s0] =	ssyncadd.s32 @!p0 s1  }
0x68: {  	[bflag:$0x3] =	sbarrier.arrive $0xFFFF  }
0x69: {  	_ =	shalt  }

</sc_bundles>
